<compile_context>
chip_gen: v7x
topology: tpu7x:2x2x1
jax: 0.10.2.dev20260603
libtpu: 0.0.44.dev20260713+nightly
codegen_flags: <defaults>
</compile_context>

<pallas_src>
import jax
import jax.numpy as jnp
from jax import lax
from jax.experimental import pallas as pl
from jax.experimental.pallas import tpu as pltpu
from jax.experimental.pallas import tpu_sc as plsc
from jax._src.pallas import mpmd as _mpmd

B1, B2, V = 32, 8, 100000
ROWS = B1 * B2
R = 8
W = 8192
NCH = (V + W - 1) // W
LANES = 16
BLKS = ROWS * V // LANES
NEG_INF = float("-inf")


def _argmax_zero_body(logits_ref, u_ref, zeros_ref, pos_ref, bv_ref, bi_ref):
    rb = pl.program_id(0)
    j = pl.program_id(1)

    u = u_ref[...]
    g = -jnp.log(-jnp.log(u + 1e-20) + 1e-20)
    y = logits_ref[...] + g

    cols = lax.broadcasted_iota(jnp.int32, (R, W), 1) + j * W
    y = jnp.where(cols < V, y, NEG_INF)
    m = jnp.max(y, axis=1, keepdims=True)
    ci = jnp.min(jnp.where(y == m, cols, jnp.int32(2**30)),
                 axis=1, keepdims=True)

    @pl.when(j == 0)
    def _():
        bv_ref[:, 0:1] = m
        bi_ref[:, 0:1] = ci

    @pl.when(j > 0)
    def _():
        bv = bv_ref[:, 0:1]
        upd = m > bv
        bv_ref[:, 0:1] = jnp.where(upd, m, bv)
        bi_ref[:, 0:1] = jnp.where(upd, ci, bi_ref[:, 0:1])

    zeros_ref[...] = jnp.zeros((R, W), jnp.float32)

    @pl.when(j == NCH - 1)
    def _():
        rowid = rb * R + lax.broadcasted_iota(jnp.int32, (R, 128), 0)
        pos_ref[...] = rowid * V + bi_ref[:, 0:1]


def _tc_argmax_and_zeros(logits2d, u2d):
    return pl.pallas_call(
        _argmax_zero_body,
        grid=(ROWS // R, NCH),
        in_specs=[
            pl.BlockSpec((R, W), lambda r, j: (r, j)),
            pl.BlockSpec((R, W), lambda r, j: (r, j)),
        ],
        out_specs=[
            pl.BlockSpec((R, W), lambda r, j: (r, j)),
            pl.BlockSpec((R, 128), lambda r, j: (r, 0)),
        ],
        out_shape=[
            jax.ShapeDtypeStruct((ROWS, V), jnp.float32),
            jax.ShapeDtypeStruct((ROWS, 128), jnp.int32),
        ],
        scratch_shapes=[
            pltpu.VMEM((R, 128), jnp.float32),
            pltpu.VMEM((R, 128), jnp.int32),
        ],
        compiler_params=pltpu.CompilerParams(
            dimension_semantics=("arbitrary", "arbitrary"),
        ),
    )(logits2d, u2d)


def _sc_scatter_body(zeros_hbm, pos_hbm, out_hbm, idx_v, blk_v, buf, sem):
    del zeros_hbm
    cid = lax.axis_index("c")
    sid = lax.axis_index("s")
    wid = sid * 2 + cid

    @pl.when(wid < 16)
    def _():
        pltpu.sync_copy(pos_hbm.at[pl.ds(wid * 16, 16)], idx_v)
        flat = idx_v[...]
        blk_v[...] = lax.shift_right_logical(flat, 4)
        lane = lax.bitwise_and(flat, 15)
        for i in range(16):
            buf[i, :] = jnp.zeros((16,), jnp.float32)
        plsc.store_scatter(buf, [lax.iota(jnp.int32, 16), lane],
                           jnp.ones((16,), jnp.float32))
        pltpu.async_copy(buf, out_hbm.at[blk_v], sem).wait()


def _sc_scatter_ones(zeros_view, flatpos):
    mesh = plsc.VectorSubcoreMesh(
        core_axis_name="c", subcore_axis_name="s", num_cores=2, num_subcores=16
    )
    fn = _mpmd._mpmd_map(
        [(mesh, _sc_scatter_body)],
        jax.ShapeDtypeStruct((BLKS, LANES), jnp.float32),
        input_output_aliases={0: 0},
        compiler_params=pltpu.CompilerParams(
            needs_layout_passes=False, use_tc_tiling_on_sc=False
        ),
        scratch_types=[
            pltpu.VMEM((LANES,), jnp.int32),
            pltpu.VMEM((LANES,), jnp.int32),
            pltpu.VMEM((LANES, LANES), jnp.float32),
            pltpu.SemaphoreType.DMA,
        ],
    )
    return fn(zeros_view, flatpos)


def kernel(logits, u):
    logits2d = logits.reshape(ROWS, V)
    u2d = u.reshape(ROWS, V)
    zeros, pos = _tc_argmax_and_zeros(logits2d, u2d)
    flatpos = pos[:, 0]
    out = _sc_scatter_ones(zeros.reshape(BLKS, LANES), flatpos)
    return out.reshape(B1, B2, V)

# --- scband reference (transcript-rebuilt; emitter-appended) ---
"""Pipeline reference for scband-gumbel-softmax-88098369176216 (READ-ONLY COPY).

The authoritative reference and input builder live on the scoring server;
editing this copy changes nothing except your own understanding.
"""

import jax, jax.numpy as jnp
import numpy as np

TEMPERATURE = 1.0
HARD = True

def setup_inputs(seed: int = 0) -> dict:
    key = jax.random.key(seed)
    k1, k2 = jax.random.split(key)
    logits = jax.random.normal(k1, (32, 8, 100000), dtype=jnp.float32)
    u = jax.random.uniform(k2, (32, 8, 100000), dtype=jnp.float32)
    return {"logits": logits, "u": u}

def reference(logits, u):
    # Gumbel noise from uniform samples (training path of the torch module).
    # Noise is passed in explicitly (precomputed uniforms) for determinism,
    # matching torch.rand_like inside forward.
    gumbel_noise = -jnp.log(-jnp.log(u + 1e-20) + 1e-20)
    y = logits + gumbel_noise
    y = jax.nn.softmax(y / TEMPERATURE, axis=-1)
    if HARD:
        idx = jnp.argmax(y, axis=-1)
        y_hard = jax.nn.one_hot(idx, y.shape[-1], dtype=y.dtype)
        y = jax.lax.stop_gradient(y_hard - y) + y
    return y

if __name__ == "__main__":
    import jax
    _d = setup_inputs()
    print(jax.jit(kernel)(*tuple(_d.values())))

</pallas_src>

<mosaic_0001>
#map = affine_map<(d0, d1) -> (0, 0)>
#map1 = affine_map<(d0, d1) -> (0)>
module attributes {stable_mosaic.version = 14 : i64} {
  func.func @_sc_scatter_body(%arg0: i32, %arg1: i32, %arg2: memref<1600000x16xf32, #tpu.memory_space<hbm>>, %arg3: memref<256xi32, #tpu.memory_space<hbm>>, %arg4: memref<1600000x16xf32, #tpu.memory_space<hbm>>, %arg5: memref<16xi32, #tpu.memory_space<vmem>>, %arg6: memref<16xi32, #tpu.memory_space<vmem>>, %arg7: memref<16x16xf32, #tpu.memory_space<vmem>>, %arg8: memref<!tpu.dma_semaphore, #tpu.memory_space<semaphore_mem>>) attributes {dimension_semantics = [#tpu.dimension_semantics<core_parallel>, #tpu.dimension_semantics<subcore_parallel>], iteration_bounds = array<i64: 2, 16>, scalar_prefetch = 0 : i64, scratch_operands = 4 : i64, tpu.core_type = #tpu.core_type<sc_vector_subcore>, window_params = [{transform_indices = #map}, {transform_indices = #map1}, {transform_indices = #map}]} {
    %mul3A = arith.constant 2 : i32
    %mul3A_0 = arith.muli %arg1, %mul3A : i32
    %add3A = arith.addi %mul3A_0, %arg0 : i32
    %lt3A = arith.constant 16 : i32
    %lt3A_1 = arith.cmpi slt, %add3A, %lt3A : i32
    %convert_element_type3A = arith.extui %lt3A_1 : i1 to i32
    %cond3A = arith.constant 0 : i32
    %cond3A_2 = arith.cmpi ne, %convert_element_type3A, %cond3A : i32
    scf.if %cond3A_2 {
      %mul3A_3 = arith.constant 16 : i32
      %mul3A_4 = arith.muli %add3A, %mul3A_3 : i32
      "tpu.region"() ({
        %run_scoped3A = tpu.sem_alloc : memref<!tpu.dma_semaphore, #tpu.memory_space<semaphore_mem>>
        %dma_start3A_112 = tpu.memref_slice %arg3[%mul3A_4] : memref<256xi32, #tpu.memory_space<hbm>> -> memref<16xi32, #tpu.memory_space<hbm>>
        %dma_start3A_113 = tpu.memref_slice %arg3[%mul3A_4] : memref<256xi32, #tpu.memory_space<hbm>> -> memref<16xi32, #tpu.memory_space<hbm>>
        tpu.enqueue_dma source(%dma_start3A_113 : memref<16xi32, #tpu.memory_space<hbm>>) target(%arg5 : memref<16xi32, #tpu.memory_space<vmem>>) target_semaphore(%run_scoped3A : memref<!tpu.dma_semaphore, #tpu.memory_space<semaphore_mem>>)
        %dma_wait3A_114 = tpu.memref_slice %arg3[%mul3A_4] : memref<256xi32, #tpu.memory_space<hbm>> -> memref<16xi32, #tpu.memory_space<hbm>>
        %dma_wait3A_115 = tpu.memref_slice %arg3[%mul3A_4] : memref<256xi32, #tpu.memory_space<hbm>> -> memref<16xi32, #tpu.memory_space<hbm>>
        tpu.wait_dma2 semaphore(%run_scoped3A : memref<!tpu.dma_semaphore, #tpu.memory_space<semaphore_mem>>) src(%dma_wait3A_115 : memref<16xi32, #tpu.memory_space<hbm>>) dst(%arg5 : memref<16xi32, #tpu.memory_space<vmem>>)
        tpu.yield
      }) : () -> ()
      %get3A = arith.constant 0 : index
      %get3A_5 = tpu.vector_load %arg5[%get3A] {strides = array<i32>} : memref<16xi32, #tpu.memory_space<vmem>>, vector<16xi32>,
      %shift_right_logical3A = arith.constant 4 : i32
      %shift_right_logical3A_6 = vector.broadcast %shift_right_logical3A : i32 to vector<16xi32>
      %shift_right_logical3A_7 = arith.shrui %get3A_5, %shift_right_logical3A_6 : vector<16xi32>
      %swap3A = arith.constant 0 : index
      %swap3A_8 = tpu.vector_load %arg6[%swap3A] {strides = array<i32>} : memref<16xi32, #tpu.memory_space<vmem>>, vector<16xi32>,
      tpu.vector_store %arg6[%swap3A], %shift_right_logical3A_7 {strides = array<i32>} : memref<16xi32, #tpu.memory_space<vmem>>, vector<16xi32>,
      %and3A = arith.constant 15 : i32
      %and3A_9 = vector.broadcast %and3A : i32 to vector<16xi32>
      %and3A_10 = arith.andi %get3A_5, %and3A_9 : vector<16xi32>
      %broadcast_in_dim3A = arith.constant 0.000000e+00 : f32
      %broadcast_in_dim3A_11 = vector.broadcast %broadcast_in_dim3A : f32 to vector<16xf32>
      %swap3A_12 = arith.constant 0 : i32
      %swap3A_13 = arith.index_cast %swap3A_12 : i32 to index
      %swap3A_14 = arith.constant 0 : index
      %swap3A_15 = tpu.vector_load %arg7[%swap3A_13, %swap3A_14] {strides = array<i32>} : memref<16x16xf32, #tpu.memory_space<vmem>>, vector<16xf32>,
      tpu.vector_store %arg7[%swap3A_13, %swap3A_14], %broadcast_in_dim3A_11 {strides = array<i32>} : memref<16x16xf32, #tpu.memory_space<vmem>>, vector<16xf32>,
      %broadcast_in_dim3A_16 = arith.constant 0.000000e+00 : f32
      %broadcast_in_dim3A_17 = vector.broadcast %broadcast_in_dim3A_16 : f32 to vector<16xf32>
      %swap3A_18 = arith.constant 1 : i32
      %swap3A_19 = arith.index_cast %swap3A_18 : i32 to index
      %swap3A_20 = arith.constant 0 : index
      %swap3A_21 = tpu.vector_load %arg7[%swap3A_19, %swap3A_20] {strides = array<i32>} : memref<16x16xf32, #tpu.memory_space<vmem>>, vector<16xf32>,
      tpu.vector_store %arg7[%swap3A_19, %swap3A_20], %broadcast_in_dim3A_17 {strides = array<i32>} : memref<16x16xf32, #tpu.memory_space<vmem>>, vector<16xf32>,
      %broadcast_in_dim3A_22 = arith.constant 0.000000e+00 : f32
      %broadcast_in_dim3A_23 = vector.broadcast %broadcast_in_dim3A_22 : f32 to vector<16xf32>
      %swap3A_24 = arith.constant 2 : i32
      %swap3A_25 = arith.index_cast %swap3A_24 : i32 to index
      %swap3A_26 = arith.constant 0 : index
      %swap3A_27 = tpu.vector_load %arg7[%swap3A_25, %swap3A_26] {strides = array<i32>} : memref<16x16xf32, #tpu.memory_space<vmem>>, vector<16xf32>,
      tpu.vector_store %arg7[%swap3A_25, %swap3A_26], %broadcast_in_dim3A_23 {strides = array<i32>} : memref<16x16xf32, #tpu.memory_space<vmem>>, vector<16xf32>,
      %broadcast_in_dim3A_28 = arith.constant 0.000000e+00 : f32
      %broadcast_in_dim3A_29 = vector.broadcast %broadcast_in_dim3A_28 : f32 to vector<16xf32>
      %swap3A_30 = arith.constant 3 : i32
      %swap3A_31 = arith.index_cast %swap3A_30 : i32 to index
      %swap3A_32 = arith.constant 0 : index
      %swap3A_33 = tpu.vector_load %arg7[%swap3A_31, %swap3A_32] {strides = array<i32>} : memref<16x16xf32, #tpu.memory_space<vmem>>, vector<16xf32>,
      tpu.vector_store %arg7[%swap3A_31, %swap3A_32], %broadcast_in_dim3A_29 {strides = array<i32>} : memref<16x16xf32, #tpu.memory_space<vmem>>, vector<16xf32>,
      %broadcast_in_dim3A_34 = arith.constant 0.000000e+00 : f32
      %broadcast_in_dim3A_35 = vector.broadcast %broadcast_in_dim3A_34 : f32 to vector<16xf32>
      %swap3A_36 = arith.constant 4 : i32
      %swap3A_37 = arith.index_cast %swap3A_36 : i32 to index
      %swap3A_38 = arith.constant 0 : index
      %swap3A_39 = tpu.vector_load %arg7[%swap3A_37, %swap3A_38] {strides = array<i32>} : memref<16x16xf32, #tpu.memory_space<vmem>>, vector<16xf32>,
      tpu.vector_store %arg7[%swap3A_37, %swap3A_38], %broadcast_in_dim3A_35 {strides = array<i32>} : memref<16x16xf32, #tpu.memory_space<vmem>>, vector<16xf32>,
      %broadcast_in_dim3A_40 = arith.constant 0.000000e+00 : f32
      %broadcast_in_dim3A_41 = vector.broadcast %broadcast_in_dim3A_40 : f32 to vector<16xf32>
      %swap3A_42 = arith.constant 5 : i32
      %swap3A_43 = arith.index_cast %swap3A_42 : i32 to index
      %swap3A_44 = arith.constant 0 : index
      %swap3A_45 = tpu.vector_load %arg7[%swap3A_43, %swap3A_44] {strides = array<i32>} : memref<16x16xf32, #tpu.memory_space<vmem>>, vector<16xf32>,
      tpu.vector_store %arg7[%swap3A_43, %swap3A_44], %broadcast_in_dim3A_41 {strides = array<i32>} : memref<16x16xf32, #tpu.memory_space<vmem>>, vector<16xf32>,
      %broadcast_in_dim3A_46 = arith.constant 0.000000e+00 : f32
      %broadcast_in_dim3A_47 = vector.broadcast %broadcast_in_dim3A_46 : f32 to vector<16xf32>
      %swap3A_48 = arith.constant 6 : i32
      %swap3A_49 = arith.index_cast %swap3A_48 : i32 to index
      %swap3A_50 = arith.constant 0 : index
      %swap3A_51 = tpu.vector_load %arg7[%swap3A_49, %swap3A_50] {strides = array<i32>} : memref<16x16xf32, #tpu.memory_space<vmem>>, vector<16xf32>,
      tpu.vector_store %arg7[%swap3A_49, %swap3A_50], %broadcast_in_dim3A_47 {strides = array<i32>} : memref<16x16xf32, #tpu.memory_space<vmem>>, vector<16xf32>,
      %broadcast_in_dim3A_52 = arith.constant 0.000000e+00 : f32
      %broadcast_in_dim3A_53 = vector.broadcast %broadcast_in_dim3A_52 : f32 to vector<16xf32>
      %swap3A_54 = arith.constant 7 : i32
      %swap3A_55 = arith.index_cast %swap3A_54 : i32 to index
      %swap3A_56 = arith.constant 0 : index
      %swap3A_57 = tpu.vector_load %arg7[%swap3A_55, %swap3A_56] {strides = array<i32>} : memref<16x16xf32, #tpu.memory_space<vmem>>, vector<16xf32>,
      tpu.vector_store %arg7[%swap3A_55, %swap3A_56], %broadcast_in_dim3A_53 {strides = array<i32>} : memref<16x16xf32, #tpu.memory_space<vmem>>, vector<16xf32>,
      %broadcast_in_dim3A_58 = arith.constant 0.000000e+00 : f32
      %broadcast_in_dim3A_59 = vector.broadcast %broadcast_in_dim3A_58 : f32 to vector<16xf32>
      %swap3A_60 = arith.constant 8 : i32
      %swap3A_61 = arith.index_cast %swap3A_60 : i32 to index
      %swap3A_62 = arith.constant 0 : index
      %swap3A_63 = tpu.vector_load %arg7[%swap3A_61, %swap3A_62] {strides = array<i32>} : memref<16x16xf32, #tpu.memory_space<vmem>>, vector<16xf32>,
      tpu.vector_store %arg7[%swap3A_61, %swap3A_62], %broadcast_in_dim3A_59 {strides = array<i32>} : memref<16x16xf32, #tpu.memory_space<vmem>>, vector<16xf32>,
      %broadcast_in_dim3A_64 = arith.constant 0.000000e+00 : f32
      %broadcast_in_dim3A_65 = vector.broadcast %broadcast_in_dim3A_64 : f32 to vector<16xf32>
      %swap3A_66 = arith.constant 9 : i32
      %swap3A_67 = arith.index_cast %swap3A_66 : i32 to index
      %swap3A_68 = arith.constant 0 : index
      %swap3A_69 = tpu.vector_load %arg7[%swap3A_67, %swap3A_68] {strides = array<i32>} : memref<16x16xf32, #tpu.memory_space<vmem>>, vector<16xf32>,
      tpu.vector_store %arg7[%swap3A_67, %swap3A_68], %broadcast_in_dim3A_65 {strides = array<i32>} : memref<16x16xf32, #tpu.memory_space<vmem>>, vector<16xf32>,
      %broadcast_in_dim3A_70 = arith.constant 0.000000e+00 : f32
      %broadcast_in_dim3A_71 = vector.broadcast %broadcast_in_dim3A_70 : f32 to vector<16xf32>
      %swap3A_72 = arith.constant 10 : i32
      %swap3A_73 = arith.index_cast %swap3A_72 : i32 to index
      %swap3A_74 = arith.constant 0 : index
      %swap3A_75 = tpu.vector_load %arg7[%swap3A_73, %swap3A_74] {strides = array<i32>} : memref<16x16xf32, #tpu.memory_space<vmem>>, vector<16xf32>,
      tpu.vector_store %arg7[%swap3A_73, %swap3A_74], %broadcast_in_dim3A_71 {strides = array<i32>} : memref<16x16xf32, #tpu.memory_space<vmem>>, vector<16xf32>,
      %broadcast_in_dim3A_76 = arith.constant 0.000000e+00 : f32
      %broadcast_in_dim3A_77 = vector.broadcast %broadcast_in_dim3A_76 : f32 to vector<16xf32>
      %swap3A_78 = arith.constant 11 : i32
      %swap3A_79 = arith.index_cast %swap3A_78 : i32 to index
      %swap3A_80 = arith.constant 0 : index
      %swap3A_81 = tpu.vector_load %arg7[%swap3A_79, %swap3A_80] {strides = array<i32>} : memref<16x16xf32, #tpu.memory_space<vmem>>, vector<16xf32>,
      tpu.vector_store %arg7[%swap3A_79, %swap3A_80], %broadcast_in_dim3A_77 {strides = array<i32>} : memref<16x16xf32, #tpu.memory_space<vmem>>, vector<16xf32>,
      %broadcast_in_dim3A_82 = arith.constant 0.000000e+00 : f32
      %broadcast_in_dim3A_83 = vector.broadcast %broadcast_in_dim3A_82 : f32 to vector<16xf32>
      %swap3A_84 = arith.constant 12 : i32
      %swap3A_85 = arith.index_cast %swap3A_84 : i32 to index
      %swap3A_86 = arith.constant 0 : index
      %swap3A_87 = tpu.vector_load %arg7[%swap3A_85, %swap3A_86] {strides = array<i32>} : memref<16x16xf32, #tpu.memory_space<vmem>>, vector<16xf32>,
      tpu.vector_store %arg7[%swap3A_85, %swap3A_86], %broadcast_in_dim3A_83 {strides = array<i32>} : memref<16x16xf32, #tpu.memory_space<vmem>>, vector<16xf32>,
      %broadcast_in_dim3A_88 = arith.constant 0.000000e+00 : f32
      %broadcast_in_dim3A_89 = vector.broadcast %broadcast_in_dim3A_88 : f32 to vector<16xf32>
      %swap3A_90 = arith.constant 13 : i32
      %swap3A_91 = arith.index_cast %swap3A_90 : i32 to index
      %swap3A_92 = arith.constant 0 : index
      %swap3A_93 = tpu.vector_load %arg7[%swap3A_91, %swap3A_92] {strides = array<i32>} : memref<16x16xf32, #tpu.memory_space<vmem>>, vector<16xf32>,
      tpu.vector_store %arg7[%swap3A_91, %swap3A_92], %broadcast_in_dim3A_89 {strides = array<i32>} : memref<16x16xf32, #tpu.memory_space<vmem>>, vector<16xf32>,
      %broadcast_in_dim3A_94 = arith.constant 0.000000e+00 : f32
      %broadcast_in_dim3A_95 = vector.broadcast %broadcast_in_dim3A_94 : f32 to vector<16xf32>
      %swap3A_96 = arith.constant 14 : i32
      %swap3A_97 = arith.index_cast %swap3A_96 : i32 to index
      %swap3A_98 = arith.constant 0 : index
      %swap3A_99 = tpu.vector_load %arg7[%swap3A_97, %swap3A_98] {strides = array<i32>} : memref<16x16xf32, #tpu.memory_space<vmem>>, vector<16xf32>,
      tpu.vector_store %arg7[%swap3A_97, %swap3A_98], %broadcast_in_dim3A_95 {strides = array<i32>} : memref<16x16xf32, #tpu.memory_space<vmem>>, vector<16xf32>,
      %broadcast_in_dim3A_100 = arith.constant 0.000000e+00 : f32
      %broadcast_in_dim3A_101 = vector.broadcast %broadcast_in_dim3A_100 : f32 to vector<16xf32>
      %swap3A_102 = arith.constant 15 : i32
      %swap3A_103 = arith.index_cast %swap3A_102 : i32 to index
      %swap3A_104 = arith.constant 0 : index
      %swap3A_105 = tpu.vector_load %arg7[%swap3A_103, %swap3A_104] {strides = array<i32>} : memref<16x16xf32, #tpu.memory_space<vmem>>, vector<16xf32>,
      tpu.vector_store %arg7[%swap3A_103, %swap3A_104], %broadcast_in_dim3A_101 {strides = array<i32>} : memref<16x16xf32, #tpu.memory_space<vmem>>, vector<16xf32>,
      %iota3A = tpu.iota {dimensions = array<i32: 0>} : vector<16xi32>
      %broadcast_in_dim3A_106 = arith.constant 1.000000e+00 : f32
      %broadcast_in_dim3A_107 = vector.broadcast %broadcast_in_dim3A_106 : f32 to vector<16xf32>
      tpu.vector_store_idx %arg7[%iota3A, %and3A_10], %broadcast_in_dim3A_107 : memref<16x16xf32, #tpu.memory_space<vmem>>[vector<16xi32>, vector<16xi32>], vector<16xf32>,
      %dma_start3A = arith.constant 0 : i32
      %dma_start3A_108 = arith.constant 0 : i32
      %dma_start3A_109 = tpu.memref_slice %arg4[%dma_start3A, %dma_start3A_108] : memref<1600000x16xf32, #tpu.memory_space<hbm>> -> memref<1600000x16xf32, #tpu.memory_space<hbm>>
      tpu.enqueue_indirect_dma source(%arg7 : memref<16x16xf32, #tpu.memory_space<vmem>>) target(%dma_start3A_109 : memref<1600000x16xf32, #tpu.memory_space<hbm>>) offsets(%arg6 : memref<16xi32, #tpu.memory_space<vmem>>) semaphore(%arg8 : memref<!tpu.dma_semaphore, #tpu.memory_space<semaphore_mem>>)
      %dma_wait3A = arith.constant 0 : i32
      %dma_wait3A_110 = arith.constant 0 : i32
      %dma_wait3A_111 = tpu.memref_slice %arg4[%dma_wait3A, %dma_wait3A_110] : memref<1600000x16xf32, #tpu.memory_space<hbm>> -> memref<1600000x16xf32, #tpu.memory_space<hbm>>
      tpu.wait_indirect_dma semaphore(%arg8 : memref<!tpu.dma_semaphore, #tpu.memory_space<semaphore_mem>>) src(%arg7 : memref<16x16xf32, #tpu.memory_space<vmem>>) dst(%dma_wait3A_111 : memref<1600000x16xf32, #tpu.memory_space<hbm>>)
    } else {
    }
    return
  }
}

module attributes {stable_mosaic.version = 14 : i64} {
  func.func @_argmax_zero_body(%arg0: i32, %arg1: i32, %arg2: memref<8x8192xf32, #tpu.memory_space<vmem>>, %arg3: memref<8x8192xf32, #tpu.memory_space<vmem>>, %arg4: memref<8x8192xf32, #tpu.memory_space<vmem>>, %arg5: memref<8x128xi32, #tpu.memory_space<vmem>>, %arg6: memref<8x128xf32, #tpu.memory_space<vmem>>, %arg7: memref<8x128xi32, #tpu.memory_space<vmem>>) attributes {dimension_semantics = [#tpu.dimension_semantics<arbitrary>, #tpu.dimension_semantics<arbitrary>], iteration_bounds = array<i64: 32, 13>, scalar_prefetch = 0 : i64, scratch_operands = 2 : i64, tpu.core_type = #tpu.core_type<tc>, window_params = [{transform_indices = @transform_0, window_bounds = array<i64: 8, 8192>}, {transform_indices = @transform_1, window_bounds = array<i64: 8, 8192>}, {transform_indices = @transform_2, window_bounds = array<i64: 8, 8192>}, {transform_indices = @transform_3, window_bounds = array<i64: 8, 128>}]} {
    %get3A = arith.constant 0 : index
    %get3A_0 = arith.constant 0 : index
    %get3A_1 = vector.load %arg3[%get3A, %get3A_0] : memref<8x8192xf32, #tpu.memory_space<vmem>>, vector<8x8192xf32>
    %add3A = arith.constant 9.99999968E-21 : f32
    %add3A_2 = vector.broadcast %add3A : f32 to vector<8x8192xf32>
    %add3A_3 = arith.addf %get3A_1, %add3A_2 : vector<8x8192xf32>
    %log3A = math.log %add3A_3 : vector<8x8192xf32>
    %neg3A = arith.constant 0.000000e+00 : f32
    %neg3A_4 = vector.broadcast %neg3A : f32 to vector<8x8192xf32>
    %neg3A_5 = arith.subf %neg3A_4, %log3A : vector<8x8192xf32>
    %add3A_6 = arith.constant 9.99999968E-21 : f32
    %add3A_7 = vector.broadcast %add3A_6 : f32 to vector<8x8192xf32>
    %add3A_8 = arith.addf %neg3A_5, %add3A_7 : vector<8x8192xf32>
    %log3A_9 = math.log %add3A_8 : vector<8x8192xf32>
    %neg3A_10 = arith.constant 0.000000e+00 : f32
    %neg3A_11 = vector.broadcast %neg3A_10 : f32 to vector<8x8192xf32>
    %neg3A_12 = arith.subf %neg3A_11, %log3A_9 : vector<8x8192xf32>
    %get3A_13 = arith.constant 0 : index
    %get3A_14 = arith.constant 0 : index
    %get3A_15 = vector.load %arg2[%get3A_13, %get3A_14] : memref<8x8192xf32, #tpu.memory_space<vmem>>, vector<8x8192xf32>
    %add3A_16 = arith.addf %get3A_15, %neg3A_12 : vector<8x8192xf32>
    %iota3A = tpu.iota {dimensions = array<i32: 1>} : vector<8x8192xi32>
    %mul3A = arith.constant 8192 : i32
    %mul3A_17 = arith.muli %arg1, %mul3A : i32
    %add3A_18 = vector.broadcast %mul3A_17 : i32 to vector<8x8192xi32>
    %add3A_19 = arith.addi %iota3A, %add3A_18 : vector<8x8192xi32>
    %lt3A = arith.constant 100000 : i32
    %lt3A_20 = vector.broadcast %lt3A : i32 to vector<8x8192xi32>
    %lt3A_21 = arith.cmpi slt, %add3A_19, %lt3A_20 : vector<8x8192xi32>
    %jit3A = arith.constant 0xFF800000 : f32
    %broadcast_in_dim3A = vector.broadcast %jit3A : f32 to vector<8x8192xf32>
    %select_n3A = arith.select %lt3A_21, %add3A_16, %broadcast_in_dim3A : vector<8x8192xi1>, vector<8x8192xf32>
    %reduce_max3A = arith.constant dense<0xFF800000> : vector<8xf32>
    %reduce_max3A_22 = vector.multi_reduction <maximumf>, %select_n3A, %reduce_max3A [1] : vector<8x8192xf32> to vector<8xf32>
    %broadcast_in_dim3A_23 = vector.shape_cast %reduce_max3A_22 : vector<8xf32> to vector<8x1xf32>
    %eq3A = vector.broadcast %broadcast_in_dim3A_23 : vector<8x1xf32> to vector<8x8192xf32>
    %eq3A_24 = arith.cmpf oeq, %select_n3A, %eq3A : vector<8x8192xf32>
    %jit3A_25 = arith.constant 1073741824 : i32
    %broadcast_in_dim3A_26 = vector.broadcast %jit3A_25 : i32 to vector<8x8192xi32>
    %select_n3A_27 = arith.select %eq3A_24, %add3A_19, %broadcast_in_dim3A_26 : vector<8x8192xi1>, vector<8x8192xi32>
    %reduce_min3A = arith.constant dense<2147483647> : vector<8xi32>
    %reduce_min3A_28 = vector.multi_reduction <minsi>, %select_n3A_27, %reduce_min3A [1] : vector<8x8192xi32> to vector<8xi32>
    %broadcast_in_dim3A_29 = vector.shape_cast %reduce_min3A_28 : vector<8xi32> to vector<8x1xi32>
    %eq3A_30 = arith.constant 0 : i32
    %eq3A_31 = arith.cmpi eq, %arg1, %eq3A_30 : i32
    %convert_element_type3A = arith.extui %eq3A_31 : i1 to i32
    %cond3A = arith.constant 0 : i32
    %cond3A_32 = arith.cmpi ne, %convert_element_type3A, %cond3A : i32
    scf.if %cond3A_32 {
      %swap3A_46 = arith.constant 0 : index
      %swap3A_47 = arith.constant 0 : index
      %swap3A_48 = vector.load %arg6[%swap3A_46, %swap3A_47] : memref<8x128xf32, #tpu.memory_space<vmem>>, vector<8x1xf32>
      tpu.vector_store %arg6[%swap3A_46, %swap3A_47], %broadcast_in_dim3A_23 {strides = array<i32>} : memref<8x128xf32, #tpu.memory_space<vmem>>, vector<8x1xf32>,
      %swap3A_49 = arith.constant 0 : index
      %swap3A_50 = arith.constant 0 : index
      %swap3A_51 = vector.load %arg7[%swap3A_49, %swap3A_50] : memref<8x128xi32, #tpu.memory_space<vmem>>, vector<8x1xi32>
      tpu.vector_store %arg7[%swap3A_49, %swap3A_50], %broadcast_in_dim3A_29 {strides = array<i32>} : memref<8x128xi32, #tpu.memory_space<vmem>>, vector<8x1xi32>,
    } else {
    }
    %gt3A = arith.constant 0 : i32
    %gt3A_33 = arith.cmpi sgt, %arg1, %gt3A : i32
    %convert_element_type3A_34 = arith.extui %gt3A_33 : i1 to i32
    %cond3A_35 = arith.constant 0 : i32
    %cond3A_36 = arith.cmpi ne, %convert_element_type3A_34, %cond3A_35 : i32
    scf.if %cond3A_36 {
      %get3A_46 = arith.constant 0 : index
      %get3A_47 = arith.constant 0 : index
      %get3A_48 = vector.load %arg6[%get3A_46, %get3A_47] : memref<8x128xf32, #tpu.memory_space<vmem>>, vector<8x1xf32>
      %gt3A_49 = arith.cmpf ogt, %broadcast_in_dim3A_23, %get3A_48 : vector<8x1xf32>
      %select_n3A_50 = arith.select %gt3A_49, %broadcast_in_dim3A_23, %get3A_48 : vector<8x1xi1>, vector<8x1xf32>
      %swap3A_51 = arith.constant 0 : index
      %swap3A_52 = arith.constant 0 : index
      %swap3A_53 = vector.load %arg6[%swap3A_51, %swap3A_52] : memref<8x128xf32, #tpu.memory_space<vmem>>, vector<8x1xf32>
      tpu.vector_store %arg6[%swap3A_51, %swap3A_52], %select_n3A_50 {strides = array<i32>} : memref<8x128xf32, #tpu.memory_space<vmem>>, vector<8x1xf32>,
      %get3A_54 = arith.constant 0 : index
      %get3A_55 = arith.constant 0 : index
      %get3A_56 = vector.load %arg7[%get3A_54, %get3A_55] : memref<8x128xi32, #tpu.memory_space<vmem>>, vector<8x1xi32>
      %select_n3A_57 = arith.select %gt3A_49, %broadcast_in_dim3A_29, %get3A_56 : vector<8x1xi1>, vector<8x1xi32>
      %swap3A_58 = arith.constant 0 : index
      %swap3A_59 = arith.constant 0 : index
      %swap3A_60 = vector.load %arg7[%swap3A_58, %swap3A_59] : memref<8x128xi32, #tpu.memory_space<vmem>>, vector<8x1xi32>
      tpu.vector_store %arg7[%swap3A_58, %swap3A_59], %select_n3A_57 {strides = array<i32>} : memref<8x128xi32, #tpu.memory_space<vmem>>, vector<8x1xi32>,
    } else {
    }
    %broadcast_in_dim3A_37 = arith.constant 0.000000e+00 : f32
    %broadcast_in_dim3A_38 = vector.broadcast %broadcast_in_dim3A_37 : f32 to vector<8x8192xf32>
    %swap3A = arith.constant 0 : index
    %swap3A_39 = arith.constant 0 : index
    %swap3A_40 = vector.load %arg4[%swap3A, %swap3A_39] : memref<8x8192xf32, #tpu.memory_space<vmem>>, vector<8x8192xf32>
    tpu.vector_store %arg4[%swap3A, %swap3A_39], %broadcast_in_dim3A_38 {strides = array<i32>} : memref<8x8192xf32, #tpu.memory_space<vmem>>, vector<8x8192xf32>,
    %eq3A_41 = arith.constant 12 : i32
    %eq3A_42 = arith.cmpi eq, %arg1, %eq3A_41 : i32
    %convert_element_type3A_43 = arith.extui %eq3A_42 : i1 to i32
    %cond3A_44 = arith.constant 0 : i32
    %cond3A_45 = arith.cmpi ne, %convert_element_type3A_43, %cond3A_44 : i32
    scf.if %cond3A_45 {
      %mul3A_46 = arith.constant 8 : i32
      %mul3A_47 = arith.muli %arg0, %mul3A_46 : i32
      %iota3A_48 = tpu.iota {dimensions = array<i32: 0>} : vector<8x128xi32>
      %add3A_49 = vector.broadcast %mul3A_47 : i32 to vector<8x128xi32>
      %add3A_50 = arith.addi %add3A_49, %iota3A_48 : vector<8x128xi32>
      %mul3A_51 = arith.constant 100000 : i32
      %mul3A_52 = vector.broadcast %mul3A_51 : i32 to vector<8x128xi32>
      %mul3A_53 = arith.muli %add3A_50, %mul3A_52 : vector<8x128xi32>
      %get3A_54 = arith.constant 0 : index
      %get3A_55 = arith.constant 0 : index
      %get3A_56 = vector.load %arg7[%get3A_54, %get3A_55] : memref<8x128xi32, #tpu.memory_space<vmem>>, vector<8x1xi32>
      %add3A_57 = vector.broadcast %get3A_56 : vector<8x1xi32> to vector<8x128xi32>
      %add3A_58 = arith.addi %mul3A_53, %add3A_57 : vector<8x128xi32>
      %swap3A_59 = arith.constant 0 : index
      %swap3A_60 = arith.constant 0 : index
      %swap3A_61 = vector.load %arg5[%swap3A_59, %swap3A_60] : memref<8x128xi32, #tpu.memory_space<vmem>>, vector<8x128xi32>
      tpu.vector_store %arg5[%swap3A_59, %swap3A_60], %add3A_58 {strides = array<i32>} : memref<8x128xi32, #tpu.memory_space<vmem>>, vector<8x128xi32>,
    } else {
    }
    return
  }
  func.func @transform_0(%arg0: i32, %arg1: i32) -> (i32, i32) {
    %c0_i32 = arith.constant 0 : i32
    return %arg0, %arg1 : i32, i32
  }
  func.func @transform_1(%arg0: i32, %arg1: i32) -> (i32, i32) {
    %c0_i32 = arith.constant 0 : i32
    return %arg0, %arg1 : i32, i32
  }
  func.func @transform_2(%arg0: i32, %arg1: i32) -> (i32, i32) {
    %c0_i32 = arith.constant 0 : i32
    return %arg0, %arg1 : i32, i32
  }
  func.func @transform_3(%arg0: i32, %arg1: i32) -> (i32, i32) {
    %c0_i32 = arith.constant 0 : i32
    %c0_i32_0 = arith.constant 0 : i32
    return %arg0, %c0_i32 : i32, i32
  }
}

</mosaic_0001>

<sc_bundles>
// kernel: kernel.4.cloned.1.call-start
scs
__scs_entry_jumppad:
0x0: {  	(pc) =	sbr.rel $0x88, $3  }
0x1: {  	(tag) =	ssettag $0x0;
	lr =	simm.s32 $0x1  }
0x2: {  	[smem:$0x3F9F] =	sst lr;
	_ =	strace $0xD0000000  }
0x3: {  	_ = 	snop  }
0x4: {  	_ = 	snop  }
0x5: {  	_ = 	snop  }
0x6: {  	_ = 	snop  }
0x7: {  	_ = 	snop  }
__scs_overlays_trampoline_lowered:
0x8: {  	[smem:$0x3FAE] =	sst s0  }
0x9: {  	[smem:$0x3FAF] =	sst s1  }
0xa: {  	[smem:$0x3FB0] =	sst s2  }
0xb: {  	[smem:$0x3FB1] =	sst s3  }
0xc: {  	[smem:$0x3FB2] =	sst s4  }
0xd: {  	[smem:$0x3FB3] =	sst s5  }
0xe: {  	[smem:$0x3FB4] =	sst s6  }
0xf: {  	[smem:$0x3FB5] =	sst s7  }
0x10: {  	[smem:$0x3FB6] =	sst s8  }
0x11: {  	[smem:$0x3FB7] =	sst s9;
	s0 =	simm.s32 @!p0 $0x0  }
0x12: {  	s1 =	sld [smem:$0x3F9D];
	s0 =	simm.s32 @p0 $0x1  }
0x13: {  	[smem:$0x3FB8] =	sst s0;
	s0 =	simm.s32 @!p1 $0x0  }
0x14: {  	s2 =	sld [smem:$0x3F9C];
	s0 =	simm.s32 @p1 $0x1  }
0x15: {  	[smem:$0x3FB9] =	sst s0;
	s0 =	simm.s32 @!p2 $0x0  }
0x16: {  	s3 =	sld [smem:$0x3FDB];
	s0 =	simm.s32 @p2 $0x1  }
0x17: {  	s4 =	simm.s32 $0x1BF5;
	[smem:$0x3FBB] =	sst s0  }
0x18: {  	s0 =	sld [smem:$0x3F9E];
	_ =	swait.ge [sflag:s4], $0x0  }
0x19: {  	s7 =	sld [smem:$0x3F9F]  }
0x1a: {  	s8 =	sadd.s32 $0xFFFFE003, lr  }
0x1b: {  	s9 =	sadd.s32 $0xFFFFFEF7, lr;
	s5 =	simm.s32 $0xFFFFFFFF;
	p2 =	slt.u32 s8, $0xFFFFF086  }
0x1c: {  	p1 =	slt.u32 s9, $0xF7A;
	s5 =	simm.s32 @!p2 $0x0  }
0x1d: {  	s5 =	simm.s32 @p1 $0x1;
	p0 =	seq.s32 s7, s2  }
0x1e: {  	s7 =	smul.u32 @!p0 $0xF7A, s2;
	p2 =	seq.s32 @!p0 s5, $0x0  }
0x1f: {  	s9 =	smul.u32 $0xF7A, s1;
	s8 =	simm.s32 @!p0 $0x1BF5;
	p2 =	por !p2, p0  }
0x20: {  	[sflag:s8] =	ssyncset.s32 @!p0 $0xFFFFF086;
	s6 =	sadd.s32 @!p0 s3, s7;
	s7 =	simm.s32 @!p0 $0x108  }
0x21: {  	s3 =	sadd.s32 s3, s9;
	s6 =	sadd.s32 @!p0 $0x88, s6;
	s7 =	simm.s32 @p2 $0x1082  }
0x22: {  	[simem:s7], [sflag:s8] =	dma.local @!p0 [hbm:s6], $0xF7A  }
0x23: {  	s9 =	sor.u32 $0xD0000000, s2;
	s6 =	simm.s32 $0x108;
	_ =	swait.ge @!p0 [sflag:s8], $0x0  }
0x24: {  	s3 =	sadd.s32 $0x88, s3;
	s6 =	simm.s32 @!p1 $0x1082;
	[sflag:s4] =	ssyncset.s32 $0xFFFFF086  }
0x25: {  	[simem:s6], [sflag:s4] =	dma.local [hbm:s3], $0xF7A  }
0x26: {  	[smem:$0x3F9F] =	sst s1;
	(tag) =	ssettag s2;
	_ =	strace s9  }
0x27: {  	s1 =	sld [smem:$0x3FAF]  }
0x28: {  	s2 =	sld [smem:$0x3FB0]  }
0x29: {  	s4 =	sld [smem:$0x3FB2]  }
0x2a: {  	p0 =	seq.s32 s5, $0x0;
	s5 =	sld [smem:$0x3FB3]  }
0x2b: {  	s6 =	sld [smem:$0x3FB4]  }
0x2c: {  	s7 =	sld [smem:$0x3FB5]  }
0x2d: {  	s3 =	simm.s32 $0x108;
	s8 =	sld [smem:$0x3FB6]  }
0x2e: {  	s3 =	simm.s32 @!p0 $0x1082;
	s9 =	sld [smem:$0x3FB7]  }
0x2f: {  	lr =	sadd.s32 s0, s3;
	s0 =	sld [smem:$0x3FAE]  }
0x30: {  	s3 =	sld [smem:$0x3FB1]  }
0x31: {  	[smem:$0x3FBA] =	sst s10  }
0x32: {  	s10 =	sld [smem:$0x3FB8];
	_ =	sdelay $0x3  }
0x33: {  	p0 =	seq.s32 s10, $0x1;
	s10 =	sld [smem:$0x3FBA];
	_ =	sdelay $0x3  }
0x34: {  	[smem:$0x3FBA] =	sst s10  }
0x35: {  	s10 =	sld [smem:$0x3FB9];
	_ =	sdelay $0x3  }
0x36: {  	p1 =	seq.s32 s10, $0x1;
	s10 =	sld [smem:$0x3FBA];
	_ =	sdelay $0x3  }
0x37: {  	[smem:$0x3FBA] =	sst s10  }
0x38: {  	s10 =	sld [smem:$0x3FBB]  }
0x39: {  	_ = 	snop;
	(pc) =	sbr.ind lr, $3  }
0x3a: {  	_ = 	snop  }
0x3b: {  	_ = 	snop  }
0x3c: {  	p2 =	seq.s32 s10, $0x1;
	s10 =	sld [smem:$0x3FBA]  }
0x3d: {  	_ =	shalt  }
0x3e: {  	_ =	shalt  }
0x3f: {  	_ =	shalt  }
0x40: {  	_ =	shalt  }
0x41: {  	_ =	shalt  }
0x42: {  	_ =	shalt  }
0x43: {  	_ =	shalt  }
0x44: {  	_ =	shalt  }
0x45: {  	_ =	shalt  }
0x46: {  	_ =	shalt  }
0x47: {  	_ =	shalt  }
0x48: {  	_ =	shalt  }
0x49: {  	_ =	shalt  }
0x4a: {  	_ =	shalt  }
0x4b: {  	_ =	shalt  }
0x4c: {  	_ =	shalt  }
0x4d: {  	_ =	shalt  }
0x4e: {  	_ =	shalt  }
0x4f: {  	_ =	shalt  }
0x50: {  	_ =	shalt  }
0x51: {  	_ =	shalt  }
0x52: {  	_ =	shalt  }
0x53: {  	_ =	shalt  }
0x54: {  	_ =	shalt  }
0x55: {  	_ =	shalt  }
0x56: {  	_ =	shalt  }
0x57: {  	_ =	shalt  }
0x58: {  	_ =	shalt  }
0x59: {  	_ =	shalt  }
0x5a: {  	_ =	shalt  }
0x5b: {  	_ =	shalt  }
0x5c: {  	_ =	shalt  }
0x5d: {  	_ =	shalt  }
0x5e: {  	_ =	shalt  }
0x5f: {  	_ =	shalt  }
0x60: {  	_ =	shalt  }
0x61: {  	_ =	shalt  }
0x62: {  	_ =	shalt  }
0x63: {  	_ =	shalt  }
0x64: {  	_ =	shalt  }
0x65: {  	_ =	shalt  }
0x66: {  	_ =	shalt  }
0x67: {  	_ =	shalt  }
0x68: {  	_ =	shalt  }
0x69: {  	_ =	shalt  }
0x6a: {  	_ =	shalt  }
0x6b: {  	_ =	shalt  }
0x6c: {  	_ =	shalt  }
0x6d: {  	_ =	shalt  }
0x6e: {  	_ =	shalt  }
0x6f: {  	_ =	shalt  }
0x70: {  	_ =	shalt  }
0x71: {  	_ =	shalt  }
0x72: {  	_ =	shalt  }
0x73: {  	_ =	shalt  }
0x74: {  	_ =	shalt  }
0x75: {  	_ =	shalt  }
0x76: {  	_ =	shalt  }
0x77: {  	_ =	shalt  }
0x78: {  	_ =	shalt  }
0x79: {  	_ =	shalt  }
0x7a: {  	_ =	shalt  }
0x7b: {  	_ =	shalt  }
0x7c: {  	_ =	shalt  }
0x7d: {  	_ =	shalt  }
0x7e: {  	_ =	shalt  }
0x7f: {  	_ =	shalt  }
0x80: {  	_ =	shalt  }
0x81: {  	_ =	shalt  }
0x82: {  	_ =	shalt  }
0x83: {  	_ =	shalt  }
0x84: {  	_ =	shalt  }
0x85: {  	_ =	shalt  }
0x86: {  	_ =	shalt  }
0x87: {  	_ =	shalt  }
.Lfunc_end0:
.L_simem_size_0:
called_computation_lowered:
.L_overlay_start_0:
0x88: {  	s2 =	sld [smem:$0x3FD9]  }
0x89: {  	s3 =	sld [smem:$0x3FFE];
	_ =	sdelay $0x1  }
0x8a: {  	s1 =	srdreg.scid  }
0x8b: {  	s0 =	sand.u32 $0x1, s1  }
0x8c: {  	s17 =	sshll.u32 s0, $0xA;
	s2 =	sadd.s32 s3, s2  }
0x8d: {  	s2 =	sadd.s32 s2, s17  }
0x8e: {  	[smem:$0x3FC6] =	sst s2  }
0x8f: {  	_ = 	snop  }
0x90: {  	s2 =	sld [smem:$0x3FD0];
	(tm) =	ssettm $0x1  }
0x91: {  	s18 =	sld [smem:$0x3FFB];
	_ =	sdelay $0x3  }
0x92: {  	_ =	strace s18  }
0x93: {  	s3 =	sld [smem:$0x3FFC];
	_ =	sdelay $0x3  }
0x94: {  	_ =	strace s3  }
0x95: {  	s3 =	sld [smem:$0x3FFD];
	_ =	sdelay $0x3  }
0x96: {  	_ =	strace s3  }
0x97: {  	_ =	strace $0x8FFFFFFF  }
0x98: {  	s19 =	sld [smem:$0x3FDB];
	_ =	sdelay $0x1  }
0x99: {  	s4 =	simm.s32 $_scs_section_size  }
0x9a: {  	s5 =	simm.s32 $_size__tile_overlayer_lowered;
	s6 =	simm.s32 $_tile_overlayer_lowered  }
0x9b: {  	s22 =	simm.s32 $0x1BFF;
	s21 =	sshll.u32 s6, $0x1;
	s3 =	sadd.s32 s4, s19  }
0x9c: {  	s7 =	simm.s32 $0x0;
	s20 =	sshll.u32 s5, $0x1;
	s5 =	sadd.s32 s21, s3  }
0x9d: {  	[timem:s7], [sflag:s22] =	dma.local [hbm:s5], s20  }
0x9e: {  	_ =	swait.ge [sflag:s22], s20  }
0x9f: {  	s4 =	ssub.s32 $0x0, s20;
	[sflag:s22] =	ssyncset.done $0x0  }
0xa0: {  	[sflag:s22] =	ssyncadd.s32 s4;
	_ =	sdelay $0x1  }
0xa1: {  	s23 =	simm.s32 $0x1B8B  }
0xa2: {  	_ =	swait.ge [sflag:s23], $0x1  }
0xa3: {  	[sflag:s23] =	ssyncset.done $0x0  }
0xa4: {  	s25 =	simm.s32 $0x1B8E;
	s24 =	sld [smem:$0x3FFE];
	[sflag:s23] =	ssyncadd.s32 $0xFFFFFFFF  }
0xa5: {  	s26 =	simm.s32 $execute0_lowered;
	[smem:$0x3FD2] =	sst s25  }
0xa6: {  	s5 =	sshll.u32 s26, $0x1;
	_ =	strace $0x80000046;
	[dreg:$0x1] =	wrdreg $0xFFFFFFFF  }
0xa7: {  	s28 =	simm.s32 $_size_execute0_lowered;
	s3 =	sadd.s32 s3, s5;
	[dreg:$0x0] =	wrdreg $0x0  }
0xa8: {  	s5 =	sshll.u32 s28, $0x1;
	[dreg:$0x2] =	wrdreg s3  }
0xa9: {  	[dreg:$0x3] =	wrdreg s5  }
0xaa: {  	[dreg:$0x4] =	wrdreg $0xC0  }
0xab: {  	_ =	task [dreg:s7], $0x5FFFF  }
0xac: {  	[dreg:$0x1] =	wrdreg $0xFFFFFFFF  }
0xad: {  	[dreg:$0x0] =	wrdreg $0x60  }
0xae: {  	[dreg:$0x2] =	wrdreg s2  }
0xaf: {  	[dreg:$0x3] =	wrdreg s24  }
0xb0: {  	[dreg:$0x4] =	wrdreg $0x9  }
0xb1: {  	_ =	task.clear_ibuf [dreg:s7], $0x5FFFF;
	_ =	strace $0x90000046  }
0xb2: {  	s29 =	simm.s32 $0x9;
	_ =	strace $0x80000048  }
0xb3: {  	_ =	swait.ge [sflag:s29], $0x1  }
0xb4: {  	[sflag:s29] =	ssyncadd.s32 $0xFFFFFFFF  }
0xb5: {  	_ =	strace $0x90000048  }
0xb6: {  	_ =	sfence  }
0xb7: {  	s30 =	sld [smem:$0x0];
	_ =	sdelay $0x2  }
0xb8: {  	s31 =	sshll.u32 s1, $0xD;
	s1 =	sshrl.u32 s1, $0x2  }
0xb9: {  	s3 =	sand.u32 $0x4000, s31;
	s1 =	sadd.s32 s1, s30  }
0xba: {  	s0 =	sor.u32 s3, s0;
	s1 =	sshll.u32 s1, $0x11  }
0xbb: {  	s0 =	sor.u32 s1, s0  }
0xbc: {  	s0 =	sadd.s32 $0x8F2B, s0  }
0xbd: {  	[sflag:s0] =	ssyncadd.remote.s32 $0x1  }
0xbe: {  	_ =	sfence.sel $0xFFFF  }
0xbf: {  	[dreg:$0x0] =	wrdreg $0xFFFFFFFF;
	(pc) =	sbr.abs _section_cstart, $3  }
0xc0: {  	[dreg:$0x1] =	wrdreg $0xFFFFFFFF  }
0xc1: {  	_ =	task.clear_ibuf [dreg:s7], $0x2FFFF;
	_ =	strace $0x9FFFFFFF  }
0xc2: {  	(tm) =	ssettm $0x7FFFFFFF  }
0xc3: {  	_ =	shalt  }
tec
execute0_lowered:
.L_overlay_start_1:
0x0: {  	(tag) =	ssettag $0x1  }
0x1: {  	s1 =	stileid.u32  }
0x2: {  	p0 =	sgt.u32 s1, $0x7  }
.Ltmp0:
0x3: {  	_ = 	snop;
	(pc) =	sbr.rel @p0 .LBB2_4-.Ltmp0, $4  }
0x4: {  	s3 =	rddreg [dreg:$0x0]  }
0x5: {  	s5 =	rddreg [dreg:$0x1];
	s2 =	simm.s32 $0x0  }
0x6: {  	[smem:$0x7FF] =	sst s2  }
0x7: {  	s0 =	rddreg [dreg:$0x2];
	_ =	strace $0x80000047  }
0x8: {  	s4 =	srdreg.scid  }
0x9: {  	s6 =	sand.u32 $0x1, s4  }
0xa: {  	s4 =	sshll.u32 s6, $0x1  }
0xb: {  	s31 =	sshll.u32 s1, $0x2;
	s3 =	sadd.s32 s3, s4  }
0xc: {  	s4 =	simm.s32 $0x2;
	s3 =	sadd.s32 s31, s3  }
0xd: {  	[tilespmem:s2], [sflag:$0x2] =	stream.linear.gather [hbm4b:s3+s2], $0x10, $0x38;
	[tilespmem:$0x120] =	vst v63  }
0xe: {  	_ =	swait.ge [sflag:s4], $0x10  }
0xf: {  	[sflag:s4] =	ssyncset.done $0x0  }
0x10: {  	v0 =	vimm.f32 $0.0e+00;
	[sflag:s4] =	ssyncadd.s32 $0xFFFFFFF0  }
0x11: {  	[tilespmem:$0x110] =	vst v0  }
0x12: {  	[tilespmem:$0x100] =	vst v0  }
0x13: {  	[tilespmem:$0xF0] =	vst v0  }
0x14: {  	[tilespmem:$0xE0] =	vst v0  }
0x15: {  	[tilespmem:$0xD0] =	vst v0  }
0x16: {  	s6 =	ssub.s32 $0x2, s6;
	[tilespmem:$0xB0] =	vst v0  }
0x17: {  	s7 =	sshrl.u32 s6, $0x1;
	[tilespmem:$0xA0] =	vst v0;
	v3 =	vld [tilespmem:$0x0]  }
0x18: {  	s6 =	ssub.s32 s6, s7;
	[tilespmem:$0x90] =	vst v0  }
0x19: {  	s9 =	smax.u32 s6, $0x1;
	[tilespmem:$0x80] =	vst v0  }
0x1a: {  	v1 =	vlaneseq.u32;
	p0 =	sne.s32 s9, $0x1;
	[tilespmem:$0x70] =	vst v0  }
.Ltmp1:
0x1b: {  	v1 =	vmul.u32 $0x10, v1;
	[tilespmem:$0x60] =	vst v0;
	(pc) =	sbr.rel @!p0 .LBB2_3-.Ltmp1, $4  }
0x1c: {  	[tilespmem:$0x50] =	vst v0;
	v4 =	vand.u32 $0xF, v3  }
0x1d: {  	[tilespmem:$0x40] =	vst v0;
	v4 =	vor.u32 v1, v4  }
0x1e: {  	s5 =	sadd.s32 $0x200, s5;
	s8 =	simm.s32 $0x10;
	[tilespmem:$0x30] =	vst v0  }
0x1f: {  	v2 =	vimm.f32 $1.000000000e+00;
	s7 =	simm.s32 $0x1;
	s6 =	simm.s32 $0x20;
	s9 =	sadd.s32 $0xFFFFFFFF, s9;
	[tilespmem:$0x20] =	vst v0;
	v3 =	vshrl.u32 v3, $0x4  }
.LBB2_2:
0x20: {  	p0 =	sne.s32 s9, $0x1;
	s9 =	sadd.s32 $0xFFFFFFFF, s9;
	[tilespmem:$0x10] =	vst v3  }
0x21: {  	[tilespmem:$0xC0] =	vst v0  }
0x22: {  	[tilespmem:v4+s6+$0x0] =	vst.idx.msk $0xffff, v2  }
0x23: {  	[hbm4b:s5+s8] =	stream.indirect.scatter [tilespmem:s6], [sflag:$0x1], $0x10, s8, s8, $0xb8;
	[tilespmem:$0x120] =	vst v63  }
0x24: {  	_ =	swait.ge [sflag:s7], $0x100  }
0x25: {  	[sflag:s7] =	ssyncset.done $0x0  }
0x26: {  	[sflag:s7] =	ssyncadd.s32 $0xFFFFFF00  }
0x27: {  	[tilespmem:s2], [sflag:$0x2] =	stream.linear.gather [hbm4b:s3+s2], $0x10, $0x38;
	[tilespmem:$0x120] =	vst v63  }
0x28: {  	_ =	swait.ge [sflag:s4], $0x10  }
0x29: {  	[sflag:s4] =	ssyncset.done $0x0  }
0x2a: {  	[sflag:s4] =	ssyncadd.s32 $0xFFFFFFF0  }
0x2b: {  	v4 =	vld [tilespmem:$0x0];
	[tilespmem:$0x110] =	vst v0  }
0x2c: {  	[tilespmem:$0x100] =	vst v0  }
0x2d: {  	[tilespmem:$0xF0] =	vst v0  }
0x2e: {  	[tilespmem:$0xE0] =	vst v0  }
0x2f: {  	[tilespmem:$0xD0] =	vst v0  }
0x30: {  	v3 =	vshrl.u32 v4, $0x4;
	[tilespmem:$0xB0] =	vst v0;
	v4 =	vand.u32 $0xF, v4  }
0x31: {  	[tilespmem:$0xA0] =	vst v0;
	v4 =	vor.u32 v1, v4  }
0x32: {  	[tilespmem:$0x90] =	vst v0  }
0x33: {  	[tilespmem:$0x80] =	vst v0  }
0x34: {  	[tilespmem:$0x70] =	vst v0  }
.Ltmp2:
0x35: {  	[tilespmem:$0x60] =	vst v0;
	(pc) =	sbr.rel @p0 .LBB2_2-.Ltmp2, $4  }
0x36: {  	[tilespmem:$0x50] =	vst v0  }
0x37: {  	[tilespmem:$0x40] =	vst v0  }
0x38: {  	[tilespmem:$0x30] =	vst v0  }
0x39: {  	[tilespmem:$0x20] =	vst v0  }
.LBB2_3:
0x3a: {  	_ =	sdelay $0x1  }
0x3b: {  	[tilespmem:$0x10] =	vst v3  }
0x3c: {  	[tilespmem:$0xC0] =	vst v0  }
0x3d: {  	[tilespmem:v4+s6+$0x0] =	vst.idx.msk $0xffff, v2  }
0x3e: {  	[hbm4b:s5+s8] =	stream.indirect.scatter [tilespmem:s6], [sflag:$0x1], $0x10, s8, s8, $0xb8;
	[tilespmem:$0x120] =	vst v63  }
0x3f: {  	_ =	swait.ge [sflag:s7], $0x100  }
0x40: {  	[sflag:s7] =	ssyncset.done $0x0  }
0x41: {  	[sflag:s7] =	ssyncadd.s32 $0xFFFFFF00  }
.LBB2_4:
0x42: {  	_ =	sfence.sel $0x180000  }
0x43: {  	[bflag:$0x0] =	sbarrier.arrive $0xFFFF  }
0x44: {  	p0 =	sne.s32 s1, $0x0;
	_ =	strace $0x90000047  }
0x45: {  	s0 =	sadd.s32 @!p0 $0x100000, s0;
	[bflag:$0x2] =	sbarrier.arrive $0xFFFF  }
0x46: {  	[sflag:s0] =	ssyncadd.tile.s32 @!p0 $0x1;
	_ =	shalt  }
.Lfunc_end2:
_tile_overlayer_lowered:
.L_overlay_start_2:
0x47: {  	(tag) =	ssettag $0x2  }
0x48: {  	s0 =	rddreg [dreg:$0x0];
	s2 =	stileid.u32  }
0x49: {  	s1 =	rddreg [dreg:$0x1];
	p0 =	sne.s32 s2, $0x0  }
0x4a: {  	s3 =	rddreg [dreg:$0x2];
	[bflag:$0x3] =	sbarrier.arrive $0xFFFF;
	s2 =	simm.s32 @!p0 $0x1C02  }
0x4b: {  	[timem:s3], [sflag:s2] =	dma.local @!p0 [hbm:s0], s1  }
0x4c: {  	s0 =	simm.s32 @!p0 $0x2  }
0x4d: {  	_ =	swait.ge @!p0 [sflag:s0], s1  }
0x4e: {  	s1 =	ssub.s32 @!p0 $0x0, s1;
	[sflag:s0] =	ssyncset.done @!p0 $0x0  }
0x4f: {  	[sflag:s0] =	ssyncadd.s32 @!p0 s1  }
0x50: {  	[bflag:$0x3] =	sbarrier.arrive $0xFFFF  }
0x51: {  	_ =	shalt  }

</sc_bundles>
